<compile_context>
chip_gen: v7x
topology: tpu7x:2x2x1
jax: 0.10.2.dev20260603
libtpu: 0.0.44.dev20260713+nightly
codegen_flags: <defaults>
</compile_context>

<pallas_src>
import functools

import jax
import jax.numpy as jnp
from jax import lax
from jax.experimental import pallas as pl
from jax.experimental.pallas import tpu as pltpu
from jax.experimental.pallas import tpu_sc as plsc

B = 16384
D = 128
H1, H2, H3 = 1024, 512, 256
NW = 32
BPW = B // NW
BM = 2048

CH = 128
NCH = BPW // CH
NBUF = 4


@functools.partial(
    pl.kernel,
    mesh=plsc.VectorSubcoreMesh(core_axis_name="c", subcore_axis_name="s"),
    out_type=jax.ShapeDtypeStruct((B, 2 * D), jnp.float32),
    scratch_types=(
        [pltpu.VMEM((BPW,), jnp.int32) for _ in range(2)]
        + [pltpu.VMEM((CH, D), jnp.float32) for _ in range(NBUF)]
        + [pltpu.SemaphoreType.DMA for _ in range(2 * NBUF)]
    ),
)
def _gather_embeds(user_hbm, movie_hbm, utab_hbm, mtab_hbm,
                   x_hbm, idx_u, idx_m, *rest):
    bufs = rest[:NBUF]
    gsems = rest[NBUF:2 * NBUF]
    wsems = rest[2 * NBUF:]
    wid = lax.axis_index("s") * 2 + lax.axis_index("c")
    base = wid * BPW
    pltpu.sync_copy(user_hbm.at[pl.ds(base, BPW)], idx_u)
    pltpu.sync_copy(movie_hbm.at[pl.ds(base, BPW)], idx_m)

    jobs = [(t, ci) for ci in range(NCH) for t in range(2)]
    tabs = (utab_hbm, mtab_hbm)
    idxs = (idx_u, idx_m)
    nj = len(jobs)
    gh = [None] * nj
    wh = [None] * nj

    def start_gather(j):
        t, ci = jobs[j]
        b = j % NBUF
        return pltpu.async_copy(
            tabs[t].at[idxs[t].at[pl.ds(ci * CH, CH)]], bufs[b], gsems[b])

    def start_write(j):
        t, ci = jobs[j]
        b = j % NBUF
        return pltpu.async_copy(
            bufs[b],
            x_hbm.at[pl.ds(base + ci * CH, CH), pl.ds(t * D, D)],
            wsems[b])

    for j in range(nj):
        if j >= NBUF:
            wh[j - NBUF].wait()
        gh[j] = start_gather(j)
        if j >= 1:
            gh[j - 1].wait()
            wh[j - 1] = start_write(j - 1)
    gh[nj - 1].wait()
    wh[nj - 1] = start_write(nj - 1)
    for j in range(max(nj - NBUF, 0), nj):
        wh[j].wait()


def _mlp_body(x_in, w1, b1, w2, b2, w3, b3, w4t, b4, out):
    bf = jnp.bfloat16
    zero = jnp.zeros((), bf)
    x = jnp.dot(x_in[...].astype(bf), w1[...],
                preferred_element_type=jnp.float32)
    x = jnp.maximum(x.astype(bf) + b1[...], zero)
    x = jnp.dot(x, w2[...], preferred_element_type=jnp.float32)
    x = jnp.maximum(x.astype(bf) + b2[...], zero)
    x = jnp.dot(x, w3[...], preferred_element_type=jnp.float32)
    x = jnp.maximum(x.astype(bf) + b3[...], zero)
    out[...] = (jnp.sum(x.astype(jnp.float32) * w4t[...], axis=1,
                        keepdims=True) + b4[...])


def _mlp(x, W1, b1, W2, b2, W3, b3, W4, b4):
    n = x.shape[0]
    pcall = pl.pallas_call(
        _mlp_body,
        grid=(n // BM,),
        in_specs=[
            pl.BlockSpec((BM, 2 * D), lambda i: (i, 0)),
            pl.BlockSpec((2 * D, H1), lambda i: (0, 0)),
            pl.BlockSpec((1, H1), lambda i: (0, 0)),
            pl.BlockSpec((H1, H2), lambda i: (0, 0)),
            pl.BlockSpec((1, H2), lambda i: (0, 0)),
            pl.BlockSpec((H2, H3), lambda i: (0, 0)),
            pl.BlockSpec((1, H3), lambda i: (0, 0)),
            pl.BlockSpec((1, H3), lambda i: (0, 0)),
            pl.BlockSpec((1, 1), lambda i: (0, 0)),
        ],
        out_specs=pl.BlockSpec((BM, 1), lambda i: (i, 0)),
        out_shape=jax.ShapeDtypeStruct((n, 1), jnp.float32),
    )
    bf = jnp.bfloat16
    return pcall(x, W1.astype(bf), b1.reshape(1, H1).astype(bf),
                 W2.astype(bf), b2.reshape(1, H2).astype(bf),
                 W3.astype(bf), b3.reshape(1, H3).astype(bf),
                 W4.reshape(1, H3), b4.reshape(1, 1))


def kernel(user, movie, user_table, movie_table, W1, b1, W2, b2, W3, b3, W4, b4):
    u32 = user.astype(jnp.int32)
    m32 = movie.astype(jnp.int32)
    x = _gather_embeds(u32, m32, user_table, movie_table)
    return _mlp(x, W1, b1, W2, b2, W3, b3, W4, b4)

# --- scband reference (transcript-rebuilt; emitter-appended) ---
"""Pipeline reference for scband-mlp-model-20280835572163 (READ-ONLY COPY).

The authoritative reference and input builder live on the scoring server;
editing this copy changes nothing except your own understanding.
"""

import jax, jax.numpy as jnp
import numpy as np

N_USERS = 100000
N_MOVIES = 100000
EMBED_LEN = 128
MLP_LAYERS = [1024, 512, 256]
OUT_FEATURES = 1
BATCH = 16384


def setup_inputs(seed: int = 0) -> dict:
    key = jax.random.key(seed)
    ks = jax.random.split(key, 16)
    user = jax.random.randint(ks[0], (BATCH,), 0, N_USERS, dtype=jnp.int64 if jax.config.jax_enable_x64 else jnp.int32)
    movie = jax.random.randint(ks[1], (BATCH,), 0, N_MOVIES, dtype=jnp.int64 if jax.config.jax_enable_x64 else jnp.int32)
    user_table = jax.random.normal(ks[2], (N_USERS, EMBED_LEN), dtype=jnp.float32) * 0.02
    movie_table = jax.random.normal(ks[3], (N_MOVIES, EMBED_LEN), dtype=jnp.float32) * 0.02
    sizes = [EMBED_LEN * 2] + MLP_LAYERS + [OUT_FEATURES]
    params = {}
    for i in range(len(sizes) - 1):
        fan_in = sizes[i]
        bound = 1.0 / np.sqrt(fan_in)
        params[f'W{i+1}'] = jax.random.uniform(ks[4 + 2 * i], (sizes[i], sizes[i + 1]), dtype=jnp.float32, minval=-bound, maxval=bound)
        params[f'b{i+1}'] = jax.random.uniform(ks[5 + 2 * i], (sizes[i + 1],), dtype=jnp.float32, minval=-bound, maxval=bound)
    inp = {'user': user, 'movie': movie, 'user_table': user_table, 'movie_table': movie_table}
    inp.update(params)
    return inp


def reference(user, movie, user_table, movie_table, W1, b1, W2, b2, W3, b3, W4, b4):
    user_embed = jnp.take(user_table, user, axis=0)
    movie_embed = jnp.take(movie_table, movie, axis=0)
    x = jnp.concatenate([user_embed, movie_embed], axis=1)
    # hidden layers: Linear -> ReLU -> Dropout (identity in eval)
    x = jax.nn.relu(x @ W1 + b1)
    x = jax.nn.relu(x @ W2 + b2)
    x = jax.nn.relu(x @ W3 + b3)
    # final Linear
    out = x @ W4 + b4
    return out

if __name__ == "__main__":
    import jax
    _d = setup_inputs()
    print(jax.jit(kernel)(*tuple(_d.values())))

</pallas_src>

<mosaic_0001>
#map = affine_map<(d0, d1) -> (0)>
#map1 = affine_map<(d0, d1) -> (0, 0)>
module attributes {stable_mosaic.version = 14 : i64} {
  func.func @_gather_embeds(%arg0: i32, %arg1: i32, %arg2: memref<16384xi32, #tpu.memory_space<hbm>>, %arg3: memref<16384xi32, #tpu.memory_space<hbm>>, %arg4: memref<100000x128xf32, #tpu.memory_space<hbm>>, %arg5: memref<100000x128xf32, #tpu.memory_space<hbm>>, %arg6: memref<16384x256xf32, #tpu.memory_space<hbm>>, %arg7: memref<512xi32, #tpu.memory_space<vmem>>, %arg8: memref<512xi32, #tpu.memory_space<vmem>>, %arg9: memref<128x128xf32, #tpu.memory_space<vmem>>, %arg10: memref<128x128xf32, #tpu.memory_space<vmem>>, %arg11: memref<128x128xf32, #tpu.memory_space<vmem>>, %arg12: memref<128x128xf32, #tpu.memory_space<vmem>>, %arg13: memref<!tpu.dma_semaphore, #tpu.memory_space<semaphore_mem>>, %arg14: memref<!tpu.dma_semaphore, #tpu.memory_space<semaphore_mem>>, %arg15: memref<!tpu.dma_semaphore, #tpu.memory_space<semaphore_mem>>, %arg16: memref<!tpu.dma_semaphore, #tpu.memory_space<semaphore_mem>>, %arg17: memref<!tpu.dma_semaphore, #tpu.memory_space<semaphore_mem>>, %arg18: memref<!tpu.dma_semaphore, #tpu.memory_space<semaphore_mem>>, %arg19: memref<!tpu.dma_semaphore, #tpu.memory_space<semaphore_mem>>, %arg20: memref<!tpu.dma_semaphore, #tpu.memory_space<semaphore_mem>>) attributes {dimension_semantics = [#tpu.dimension_semantics<core_parallel>, #tpu.dimension_semantics<subcore_parallel>], iteration_bounds = array<i64: 2, 16>, scalar_prefetch = 0 : i64, scratch_operands = 14 : i64, tpu.core_type = #tpu.core_type<sc_vector_subcore>, window_params = [{transform_indices = #map}, {transform_indices = #map}, {transform_indices = #map1}, {transform_indices = #map1}, {transform_indices = #map1}]} {
    %mul3A = arith.constant 2 : i32
    %mul3A_0 = arith.muli %arg1, %mul3A : i32
    %add3A = arith.addi %mul3A_0, %arg0 : i32
    %mul3A_1 = arith.constant 512 : i32
    %mul3A_2 = arith.muli %add3A, %mul3A_1 : i32
    "tpu.region"() ({
      %run_scoped3A = tpu.sem_alloc : memref<!tpu.dma_semaphore, #tpu.memory_space<semaphore_mem>>
      %dma_start3A_161 = tpu.memref_slice %arg2[%mul3A_2] : memref<16384xi32, #tpu.memory_space<hbm>> -> memref<512xi32, #tpu.memory_space<hbm>>
      %dma_start3A_162 = tpu.memref_slice %arg2[%mul3A_2] : memref<16384xi32, #tpu.memory_space<hbm>> -> memref<512xi32, #tpu.memory_space<hbm>>
      tpu.enqueue_dma source(%dma_start3A_162 : memref<512xi32, #tpu.memory_space<hbm>>) target(%arg7 : memref<512xi32, #tpu.memory_space<vmem>>) target_semaphore(%run_scoped3A : memref<!tpu.dma_semaphore, #tpu.memory_space<semaphore_mem>>)
      %dma_wait3A_163 = tpu.memref_slice %arg2[%mul3A_2] : memref<16384xi32, #tpu.memory_space<hbm>> -> memref<512xi32, #tpu.memory_space<hbm>>
      %dma_wait3A_164 = tpu.memref_slice %arg2[%mul3A_2] : memref<16384xi32, #tpu.memory_space<hbm>> -> memref<512xi32, #tpu.memory_space<hbm>>
      tpu.wait_dma2 semaphore(%run_scoped3A : memref<!tpu.dma_semaphore, #tpu.memory_space<semaphore_mem>>) src(%dma_wait3A_164 : memref<512xi32, #tpu.memory_space<hbm>>) dst(%arg7 : memref<512xi32, #tpu.memory_space<vmem>>)
      tpu.yield
    }) : () -> ()
    "tpu.region"() ({
      %run_scoped3A = tpu.sem_alloc : memref<!tpu.dma_semaphore, #tpu.memory_space<semaphore_mem>>
      %dma_start3A_161 = tpu.memref_slice %arg3[%mul3A_2] : memref<16384xi32, #tpu.memory_space<hbm>> -> memref<512xi32, #tpu.memory_space<hbm>>
      %dma_start3A_162 = tpu.memref_slice %arg3[%mul3A_2] : memref<16384xi32, #tpu.memory_space<hbm>> -> memref<512xi32, #tpu.memory_space<hbm>>
      tpu.enqueue_dma source(%dma_start3A_162 : memref<512xi32, #tpu.memory_space<hbm>>) target(%arg8 : memref<512xi32, #tpu.memory_space<vmem>>) target_semaphore(%run_scoped3A : memref<!tpu.dma_semaphore, #tpu.memory_space<semaphore_mem>>)
      %dma_wait3A_163 = tpu.memref_slice %arg3[%mul3A_2] : memref<16384xi32, #tpu.memory_space<hbm>> -> memref<512xi32, #tpu.memory_space<hbm>>
      %dma_wait3A_164 = tpu.memref_slice %arg3[%mul3A_2] : memref<16384xi32, #tpu.memory_space<hbm>> -> memref<512xi32, #tpu.memory_space<hbm>>
      tpu.wait_dma2 semaphore(%run_scoped3A : memref<!tpu.dma_semaphore, #tpu.memory_space<semaphore_mem>>) src(%dma_wait3A_164 : memref<512xi32, #tpu.memory_space<hbm>>) dst(%arg8 : memref<512xi32, #tpu.memory_space<vmem>>)
      tpu.yield
    }) : () -> ()
    %dma_start3A = arith.constant 0 : i32
    %dma_start3A_3 = tpu.memref_slice %arg7[%dma_start3A] : memref<512xi32, #tpu.memory_space<vmem>> -> memref<128xi32, #tpu.memory_space<vmem>>
    %dma_start3A_4 = arith.constant 0 : i32
    %dma_start3A_5 = arith.constant 0 : i32
    %dma_start3A_6 = tpu.memref_slice %arg4[%dma_start3A_4, %dma_start3A_5] : memref<100000x128xf32, #tpu.memory_space<hbm>> -> memref<100000x128xf32, #tpu.memory_space<hbm>>
    tpu.enqueue_indirect_dma source(%dma_start3A_6 : memref<100000x128xf32, #tpu.memory_space<hbm>>) target(%arg9 : memref<128x128xf32, #tpu.memory_space<vmem>>) offsets(%dma_start3A_3 : memref<128xi32, #tpu.memory_space<vmem>>) semaphore(%arg13 : memref<!tpu.dma_semaphore, #tpu.memory_space<semaphore_mem>>)
    %dma_start3A_7 = arith.constant 0 : i32
    %dma_start3A_8 = tpu.memref_slice %arg8[%dma_start3A_7] : memref<512xi32, #tpu.memory_space<vmem>> -> memref<128xi32, #tpu.memory_space<vmem>>
    %dma_start3A_9 = arith.constant 0 : i32
    %dma_start3A_10 = arith.constant 0 : i32
    %dma_start3A_11 = tpu.memref_slice %arg5[%dma_start3A_9, %dma_start3A_10] : memref<100000x128xf32, #tpu.memory_space<hbm>> -> memref<100000x128xf32, #tpu.memory_space<hbm>>
    tpu.enqueue_indirect_dma source(%dma_start3A_11 : memref<100000x128xf32, #tpu.memory_space<hbm>>) target(%arg10 : memref<128x128xf32, #tpu.memory_space<vmem>>) offsets(%dma_start3A_8 : memref<128xi32, #tpu.memory_space<vmem>>) semaphore(%arg14 : memref<!tpu.dma_semaphore, #tpu.memory_space<semaphore_mem>>)
    %dma_wait3A = arith.constant 0 : i32
    %dma_wait3A_12 = tpu.memref_slice %arg7[%dma_wait3A] : memref<512xi32, #tpu.memory_space<vmem>> -> memref<128xi32, #tpu.memory_space<vmem>>
    %dma_wait3A_13 = arith.constant 0 : i32
    %dma_wait3A_14 = arith.constant 0 : i32
    %dma_wait3A_15 = tpu.memref_slice %arg4[%dma_wait3A_13, %dma_wait3A_14] : memref<100000x128xf32, #tpu.memory_space<hbm>> -> memref<100000x128xf32, #tpu.memory_space<hbm>>
    tpu.wait_indirect_dma semaphore(%arg13 : memref<!tpu.dma_semaphore, #tpu.memory_space<semaphore_mem>>) src(%dma_wait3A_15 : memref<100000x128xf32, #tpu.memory_space<hbm>>) dst(%arg9 : memref<128x128xf32, #tpu.memory_space<vmem>>)
    %add3A_16 = arith.constant 0 : i32
    %add3A_17 = arith.addi %mul3A_2, %add3A_16 : i32
    %dma_start3A_18 = arith.constant 0 : i32
    %dma_start3A_19 = tpu.memref_slice %arg6[%add3A_17, %dma_start3A_18] : memref<16384x256xf32, #tpu.memory_space<hbm>> -> memref<128x128xf32, #tpu.memory_space<hbm>>
    %dma_start3A_20 = arith.constant 0 : i32
    %dma_start3A_21 = tpu.memref_slice %arg6[%add3A_17, %dma_start3A_20] : memref<16384x256xf32, #tpu.memory_space<hbm>> -> memref<128x128xf32, #tpu.memory_space<hbm>>
    tpu.enqueue_dma source(%arg9 : memref<128x128xf32, #tpu.memory_space<vmem>>) target(%dma_start3A_21 : memref<128x128xf32, #tpu.memory_space<hbm>>) target_semaphore(%arg17 : memref<!tpu.dma_semaphore, #tpu.memory_space<semaphore_mem>>)
    %dma_start3A_22 = arith.constant 128 : i32
    %dma_start3A_23 = tpu.memref_slice %arg7[%dma_start3A_22] : memref<512xi32, #tpu.memory_space<vmem>> -> memref<128xi32, #tpu.memory_space<vmem>>
    %dma_start3A_24 = arith.constant 0 : i32
    %dma_start3A_25 = arith.constant 0 : i32
    %dma_start3A_26 = tpu.memref_slice %arg4[%dma_start3A_24, %dma_start3A_25] : memref<100000x128xf32, #tpu.memory_space<hbm>> -> memref<100000x128xf32, #tpu.memory_space<hbm>>
    tpu.enqueue_indirect_dma source(%dma_start3A_26 : memref<100000x128xf32, #tpu.memory_space<hbm>>) target(%arg11 : memref<128x128xf32, #tpu.memory_space<vmem>>) offsets(%dma_start3A_23 : memref<128xi32, #tpu.memory_space<vmem>>) semaphore(%arg15 : memref<!tpu.dma_semaphore, #tpu.memory_space<semaphore_mem>>)
    %dma_wait3A_27 = arith.constant 0 : i32
    %dma_wait3A_28 = tpu.memref_slice %arg8[%dma_wait3A_27] : memref<512xi32, #tpu.memory_space<vmem>> -> memref<128xi32, #tpu.memory_space<vmem>>
    %dma_wait3A_29 = arith.constant 0 : i32
    %dma_wait3A_30 = arith.constant 0 : i32
    %dma_wait3A_31 = tpu.memref_slice %arg5[%dma_wait3A_29, %dma_wait3A_30] : memref<100000x128xf32, #tpu.memory_space<hbm>> -> memref<100000x128xf32, #tpu.memory_space<hbm>>
    tpu.wait_indirect_dma semaphore(%arg14 : memref<!tpu.dma_semaphore, #tpu.memory_space<semaphore_mem>>) src(%dma_wait3A_31 : memref<100000x128xf32, #tpu.memory_space<hbm>>) dst(%arg10 : memref<128x128xf32, #tpu.memory_space<vmem>>)
    %add3A_32 = arith.constant 0 : i32
    %add3A_33 = arith.addi %mul3A_2, %add3A_32 : i32
    %dma_start3A_34 = arith.constant 128 : i32
    %dma_start3A_35 = tpu.memref_slice %arg6[%add3A_33, %dma_start3A_34] : memref<16384x256xf32, #tpu.memory_space<hbm>> -> memref<128x128xf32, #tpu.memory_space<hbm>>
    %dma_start3A_36 = arith.constant 128 : i32
    %dma_start3A_37 = tpu.memref_slice %arg6[%add3A_33, %dma_start3A_36] : memref<16384x256xf32, #tpu.memory_space<hbm>> -> memref<128x128xf32, #tpu.memory_space<hbm>>
    tpu.enqueue_dma source(%arg10 : memref<128x128xf32, #tpu.memory_space<vmem>>) target(%dma_start3A_37 : memref<128x128xf32, #tpu.memory_space<hbm>>) target_semaphore(%arg18 : memref<!tpu.dma_semaphore, #tpu.memory_space<semaphore_mem>>)
    %dma_start3A_38 = arith.constant 128 : i32
    %dma_start3A_39 = tpu.memref_slice %arg8[%dma_start3A_38] : memref<512xi32, #tpu.memory_space<vmem>> -> memref<128xi32, #tpu.memory_space<vmem>>
    %dma_start3A_40 = arith.constant 0 : i32
    %dma_start3A_41 = arith.constant 0 : i32
    %dma_start3A_42 = tpu.memref_slice %arg5[%dma_start3A_40, %dma_start3A_41] : memref<100000x128xf32, #tpu.memory_space<hbm>> -> memref<100000x128xf32, #tpu.memory_space<hbm>>
    tpu.enqueue_indirect_dma source(%dma_start3A_42 : memref<100000x128xf32, #tpu.memory_space<hbm>>) target(%arg12 : memref<128x128xf32, #tpu.memory_space<vmem>>) offsets(%dma_start3A_39 : memref<128xi32, #tpu.memory_space<vmem>>) semaphore(%arg16 : memref<!tpu.dma_semaphore, #tpu.memory_space<semaphore_mem>>)
    %dma_wait3A_43 = arith.constant 128 : i32
    %dma_wait3A_44 = tpu.memref_slice %arg7[%dma_wait3A_43] : memref<512xi32, #tpu.memory_space<vmem>> -> memref<128xi32, #tpu.memory_space<vmem>>
    %dma_wait3A_45 = arith.constant 0 : i32
    %dma_wait3A_46 = arith.constant 0 : i32
    %dma_wait3A_47 = tpu.memref_slice %arg4[%dma_wait3A_45, %dma_wait3A_46] : memref<100000x128xf32, #tpu.memory_space<hbm>> -> memref<100000x128xf32, #tpu.memory_space<hbm>>
    tpu.wait_indirect_dma semaphore(%arg15 : memref<!tpu.dma_semaphore, #tpu.memory_space<semaphore_mem>>) src(%dma_wait3A_47 : memref<100000x128xf32, #tpu.memory_space<hbm>>) dst(%arg11 : memref<128x128xf32, #tpu.memory_space<vmem>>)
    %add3A_48 = arith.constant 128 : i32
    %add3A_49 = arith.addi %mul3A_2, %add3A_48 : i32
    %dma_start3A_50 = arith.constant 0 : i32
    %dma_start3A_51 = tpu.memref_slice %arg6[%add3A_49, %dma_start3A_50] : memref<16384x256xf32, #tpu.memory_space<hbm>> -> memref<128x128xf32, #tpu.memory_space<hbm>>
    %dma_start3A_52 = arith.constant 0 : i32
    %dma_start3A_53 = tpu.memref_slice %arg6[%add3A_49, %dma_start3A_52] : memref<16384x256xf32, #tpu.memory_space<hbm>> -> memref<128x128xf32, #tpu.memory_space<hbm>>
    tpu.enqueue_dma source(%arg11 : memref<128x128xf32, #tpu.memory_space<vmem>>) target(%dma_start3A_53 : memref<128x128xf32, #tpu.memory_space<hbm>>) target_semaphore(%arg19 : memref<!tpu.dma_semaphore, #tpu.memory_space<semaphore_mem>>)
    %dma_wait3A_54 = arith.constant 0 : i32
    %dma_wait3A_55 = tpu.memref_slice %arg6[%add3A_17, %dma_wait3A_54] : memref<16384x256xf32, #tpu.memory_space<hbm>> -> memref<128x128xf32, #tpu.memory_space<hbm>>
    %dma_wait3A_56 = arith.constant 0 : i32
    %dma_wait3A_57 = tpu.memref_slice %arg6[%add3A_17, %dma_wait3A_56] : memref<16384x256xf32, #tpu.memory_space<hbm>> -> memref<128x128xf32, #tpu.memory_space<hbm>>
    tpu.wait_dma2 semaphore(%arg17 : memref<!tpu.dma_semaphore, #tpu.memory_space<semaphore_mem>>) src(%arg9 : memref<128x128xf32, #tpu.memory_space<vmem>>) dst(%dma_wait3A_57 : memref<128x128xf32, #tpu.memory_space<hbm>>)
    %dma_start3A_58 = arith.constant 256 : i32
    %dma_start3A_59 = tpu.memref_slice %arg7[%dma_start3A_58] : memref<512xi32, #tpu.memory_space<vmem>> -> memref<128xi32, #tpu.memory_space<vmem>>
    %dma_start3A_60 = arith.constant 0 : i32
    %dma_start3A_61 = arith.constant 0 : i32
    %dma_start3A_62 = tpu.memref_slice %arg4[%dma_start3A_60, %dma_start3A_61] : memref<100000x128xf32, #tpu.memory_space<hbm>> -> memref<100000x128xf32, #tpu.memory_space<hbm>>
    tpu.enqueue_indirect_dma source(%dma_start3A_62 : memref<100000x128xf32, #tpu.memory_space<hbm>>) target(%arg9 : memref<128x128xf32, #tpu.memory_space<vmem>>) offsets(%dma_start3A_59 : memref<128xi32, #tpu.memory_space<vmem>>) semaphore(%arg13 : memref<!tpu.dma_semaphore, #tpu.memory_space<semaphore_mem>>)
    %dma_wait3A_63 = arith.constant 128 : i32
    %dma_wait3A_64 = tpu.memref_slice %arg8[%dma_wait3A_63] : memref<512xi32, #tpu.memory_space<vmem>> -> memref<128xi32, #tpu.memory_space<vmem>>
    %dma_wait3A_65 = arith.constant 0 : i32
    %dma_wait3A_66 = arith.constant 0 : i32
    %dma_wait3A_67 = tpu.memref_slice %arg5[%dma_wait3A_65, %dma_wait3A_66] : memref<100000x128xf32, #tpu.memory_space<hbm>> -> memref<100000x128xf32, #tpu.memory_space<hbm>>
    tpu.wait_indirect_dma semaphore(%arg16 : memref<!tpu.dma_semaphore, #tpu.memory_space<semaphore_mem>>) src(%dma_wait3A_67 : memref<100000x128xf32, #tpu.memory_space<hbm>>) dst(%arg12 : memref<128x128xf32, #tpu.memory_space<vmem>>)
    %add3A_68 = arith.constant 128 : i32
    %add3A_69 = arith.addi %mul3A_2, %add3A_68 : i32
    %dma_start3A_70 = arith.constant 128 : i32
    %dma_start3A_71 = tpu.memref_slice %arg6[%add3A_69, %dma_start3A_70] : memref<16384x256xf32, #tpu.memory_space<hbm>> -> memref<128x128xf32, #tpu.memory_space<hbm>>
    %dma_start3A_72 = arith.constant 128 : i32
    %dma_start3A_73 = tpu.memref_slice %arg6[%add3A_69, %dma_start3A_72] : memref<16384x256xf32, #tpu.memory_space<hbm>> -> memref<128x128xf32, #tpu.memory_space<hbm>>
    tpu.enqueue_dma source(%arg12 : memref<128x128xf32, #tpu.memory_space<vmem>>) target(%dma_start3A_73 : memref<128x128xf32, #tpu.memory_space<hbm>>) target_semaphore(%arg20 : memref<!tpu.dma_semaphore, #tpu.memory_space<semaphore_mem>>)
    %dma_wait3A_74 = arith.constant 128 : i32
    %dma_wait3A_75 = tpu.memref_slice %arg6[%add3A_33, %dma_wait3A_74] : memref<16384x256xf32, #tpu.memory_space<hbm>> -> memref<128x128xf32, #tpu.memory_space<hbm>>
    %dma_wait3A_76 = arith.constant 128 : i32
    %dma_wait3A_77 = tpu.memref_slice %arg6[%add3A_33, %dma_wait3A_76] : memref<16384x256xf32, #tpu.memory_space<hbm>> -> memref<128x128xf32, #tpu.memory_space<hbm>>
    tpu.wait_dma2 semaphore(%arg18 : memref<!tpu.dma_semaphore, #tpu.memory_space<semaphore_mem>>) src(%arg10 : memref<128x128xf32, #tpu.memory_space<vmem>>) dst(%dma_wait3A_77 : memref<128x128xf32, #tpu.memory_space<hbm>>)
    %dma_start3A_78 = arith.constant 256 : i32
    %dma_start3A_79 = tpu.memref_slice %arg8[%dma_start3A_78] : memref<512xi32, #tpu.memory_space<vmem>> -> memref<128xi32, #tpu.memory_space<vmem>>
    %dma_start3A_80 = arith.constant 0 : i32
    %dma_start3A_81 = arith.constant 0 : i32
    %dma_start3A_82 = tpu.memref_slice %arg5[%dma_start3A_80, %dma_start3A_81] : memref<100000x128xf32, #tpu.memory_space<hbm>> -> memref<100000x128xf32, #tpu.memory_space<hbm>>
    tpu.enqueue_indirect_dma source(%dma_start3A_82 : memref<100000x128xf32, #tpu.memory_space<hbm>>) target(%arg10 : memref<128x128xf32, #tpu.memory_space<vmem>>) offsets(%dma_start3A_79 : memref<128xi32, #tpu.memory_space<vmem>>) semaphore(%arg14 : memref<!tpu.dma_semaphore, #tpu.memory_space<semaphore_mem>>)
    %dma_wait3A_83 = arith.constant 256 : i32
    %dma_wait3A_84 = tpu.memref_slice %arg7[%dma_wait3A_83] : memref<512xi32, #tpu.memory_space<vmem>> -> memref<128xi32, #tpu.memory_space<vmem>>
    %dma_wait3A_85 = arith.constant 0 : i32
    %dma_wait3A_86 = arith.constant 0 : i32
    %dma_wait3A_87 = tpu.memref_slice %arg4[%dma_wait3A_85, %dma_wait3A_86] : memref<100000x128xf32, #tpu.memory_space<hbm>> -> memref<100000x128xf32, #tpu.memory_space<hbm>>
    tpu.wait_indirect_dma semaphore(%arg13 : memref<!tpu.dma_semaphore, #tpu.memory_space<semaphore_mem>>) src(%dma_wait3A_87 : memref<100000x128xf32, #tpu.memory_space<hbm>>) dst(%arg9 : memref<128x128xf32, #tpu.memory_space<vmem>>)
    %add3A_88 = arith.constant 256 : i32
    %add3A_89 = arith.addi %mul3A_2, %add3A_88 : i32
    %dma_start3A_90 = arith.constant 0 : i32
    %dma_start3A_91 = tpu.memref_slice %arg6[%add3A_89, %dma_start3A_90] : memref<16384x256xf32, #tpu.memory_space<hbm>> -> memref<128x128xf32, #tpu.memory_space<hbm>>
    %dma_start3A_92 = arith.constant 0 : i32
    %dma_start3A_93 = tpu.memref_slice %arg6[%add3A_89, %dma_start3A_92] : memref<16384x256xf32, #tpu.memory_space<hbm>> -> memref<128x128xf32, #tpu.memory_space<hbm>>
    tpu.enqueue_dma source(%arg9 : memref<128x128xf32, #tpu.memory_space<vmem>>) target(%dma_start3A_93 : memref<128x128xf32, #tpu.memory_space<hbm>>) target_semaphore(%arg17 : memref<!tpu.dma_semaphore, #tpu.memory_space<semaphore_mem>>)
    %dma_wait3A_94 = arith.constant 0 : i32
    %dma_wait3A_95 = tpu.memref_slice %arg6[%add3A_49, %dma_wait3A_94] : memref<16384x256xf32, #tpu.memory_space<hbm>> -> memref<128x128xf32, #tpu.memory_space<hbm>>
    %dma_wait3A_96 = arith.constant 0 : i32
    %dma_wait3A_97 = tpu.memref_slice %arg6[%add3A_49, %dma_wait3A_96] : memref<16384x256xf32, #tpu.memory_space<hbm>> -> memref<128x128xf32, #tpu.memory_space<hbm>>
    tpu.wait_dma2 semaphore(%arg19 : memref<!tpu.dma_semaphore, #tpu.memory_space<semaphore_mem>>) src(%arg11 : memref<128x128xf32, #tpu.memory_space<vmem>>) dst(%dma_wait3A_97 : memref<128x128xf32, #tpu.memory_space<hbm>>)
    %dma_start3A_98 = arith.constant 384 : i32
    %dma_start3A_99 = tpu.memref_slice %arg7[%dma_start3A_98] : memref<512xi32, #tpu.memory_space<vmem>> -> memref<128xi32, #tpu.memory_space<vmem>>
    %dma_start3A_100 = arith.constant 0 : i32
    %dma_start3A_101 = arith.constant 0 : i32
    %dma_start3A_102 = tpu.memref_slice %arg4[%dma_start3A_100, %dma_start3A_101] : memref<100000x128xf32, #tpu.memory_space<hbm>> -> memref<100000x128xf32, #tpu.memory_space<hbm>>
    tpu.enqueue_indirect_dma source(%dma_start3A_102 : memref<100000x128xf32, #tpu.memory_space<hbm>>) target(%arg11 : memref<128x128xf32, #tpu.memory_space<vmem>>) offsets(%dma_start3A_99 : memref<128xi32, #tpu.memory_space<vmem>>) semaphore(%arg15 : memref<!tpu.dma_semaphore, #tpu.memory_space<semaphore_mem>>)
    %dma_wait3A_103 = arith.constant 256 : i32
    %dma_wait3A_104 = tpu.memref_slice %arg8[%dma_wait3A_103] : memref<512xi32, #tpu.memory_space<vmem>> -> memref<128xi32, #tpu.memory_space<vmem>>
    %dma_wait3A_105 = arith.constant 0 : i32
    %dma_wait3A_106 = arith.constant 0 : i32
    %dma_wait3A_107 = tpu.memref_slice %arg5[%dma_wait3A_105, %dma_wait3A_106] : memref<100000x128xf32, #tpu.memory_space<hbm>> -> memref<100000x128xf32, #tpu.memory_space<hbm>>
    tpu.wait_indirect_dma semaphore(%arg14 : memref<!tpu.dma_semaphore, #tpu.memory_space<semaphore_mem>>) src(%dma_wait3A_107 : memref<100000x128xf32, #tpu.memory_space<hbm>>) dst(%arg10 : memref<128x128xf32, #tpu.memory_space<vmem>>)
    %add3A_108 = arith.constant 256 : i32
    %add3A_109 = arith.addi %mul3A_2, %add3A_108 : i32
    %dma_start3A_110 = arith.constant 128 : i32
    %dma_start3A_111 = tpu.memref_slice %arg6[%add3A_109, %dma_start3A_110] : memref<16384x256xf32, #tpu.memory_space<hbm>> -> memref<128x128xf32, #tpu.memory_space<hbm>>
    %dma_start3A_112 = arith.constant 128 : i32
    %dma_start3A_113 = tpu.memref_slice %arg6[%add3A_109, %dma_start3A_112] : memref<16384x256xf32, #tpu.memory_space<hbm>> -> memref<128x128xf32, #tpu.memory_space<hbm>>
    tpu.enqueue_dma source(%arg10 : memref<128x128xf32, #tpu.memory_space<vmem>>) target(%dma_start3A_113 : memref<128x128xf32, #tpu.memory_space<hbm>>) target_semaphore(%arg18 : memref<!tpu.dma_semaphore, #tpu.memory_space<semaphore_mem>>)
    %dma_wait3A_114 = arith.constant 128 : i32
    %dma_wait3A_115 = tpu.memref_slice %arg6[%add3A_69, %dma_wait3A_114] : memref<16384x256xf32, #tpu.memory_space<hbm>> -> memref<128x128xf32, #tpu.memory_space<hbm>>
    %dma_wait3A_116 = arith.constant 128 : i32
    %dma_wait3A_117 = tpu.memref_slice %arg6[%add3A_69, %dma_wait3A_116] : memref<16384x256xf32, #tpu.memory_space<hbm>> -> memref<128x128xf32, #tpu.memory_space<hbm>>
    tpu.wait_dma2 semaphore(%arg20 : memref<!tpu.dma_semaphore, #tpu.memory_space<semaphore_mem>>) src(%arg12 : memref<128x128xf32, #tpu.memory_space<vmem>>) dst(%dma_wait3A_117 : memref<128x128xf32, #tpu.memory_space<hbm>>)
    %dma_start3A_118 = arith.constant 384 : i32
    %dma_start3A_119 = tpu.memref_slice %arg8[%dma_start3A_118] : memref<512xi32, #tpu.memory_space<vmem>> -> memref<128xi32, #tpu.memory_space<vmem>>
    %dma_start3A_120 = arith.constant 0 : i32
    %dma_start3A_121 = arith.constant 0 : i32
    %dma_start3A_122 = tpu.memref_slice %arg5[%dma_start3A_120, %dma_start3A_121] : memref<100000x128xf32, #tpu.memory_space<hbm>> -> memref<100000x128xf32, #tpu.memory_space<hbm>>
    tpu.enqueue_indirect_dma source(%dma_start3A_122 : memref<100000x128xf32, #tpu.memory_space<hbm>>) target(%arg12 : memref<128x128xf32, #tpu.memory_space<vmem>>) offsets(%dma_start3A_119 : memref<128xi32, #tpu.memory_space<vmem>>) semaphore(%arg16 : memref<!tpu.dma_semaphore, #tpu.memory_space<semaphore_mem>>)
    %dma_wait3A_123 = arith.constant 384 : i32
    %dma_wait3A_124 = tpu.memref_slice %arg7[%dma_wait3A_123] : memref<512xi32, #tpu.memory_space<vmem>> -> memref<128xi32, #tpu.memory_space<vmem>>
    %dma_wait3A_125 = arith.constant 0 : i32
    %dma_wait3A_126 = arith.constant 0 : i32
    %dma_wait3A_127 = tpu.memref_slice %arg4[%dma_wait3A_125, %dma_wait3A_126] : memref<100000x128xf32, #tpu.memory_space<hbm>> -> memref<100000x128xf32, #tpu.memory_space<hbm>>
    tpu.wait_indirect_dma semaphore(%arg15 : memref<!tpu.dma_semaphore, #tpu.memory_space<semaphore_mem>>) src(%dma_wait3A_127 : memref<100000x128xf32, #tpu.memory_space<hbm>>) dst(%arg11 : memref<128x128xf32, #tpu.memory_space<vmem>>)
    %add3A_128 = arith.constant 384 : i32
    %add3A_129 = arith.addi %mul3A_2, %add3A_128 : i32
    %dma_start3A_130 = arith.constant 0 : i32
    %dma_start3A_131 = tpu.memref_slice %arg6[%add3A_129, %dma_start3A_130] : memref<16384x256xf32, #tpu.memory_space<hbm>> -> memref<128x128xf32, #tpu.memory_space<hbm>>
    %dma_start3A_132 = arith.constant 0 : i32
    %dma_start3A_133 = tpu.memref_slice %arg6[%add3A_129, %dma_start3A_132] : memref<16384x256xf32, #tpu.memory_space<hbm>> -> memref<128x128xf32, #tpu.memory_space<hbm>>
    tpu.enqueue_dma source(%arg11 : memref<128x128xf32, #tpu.memory_space<vmem>>) target(%dma_start3A_133 : memref<128x128xf32, #tpu.memory_space<hbm>>) target_semaphore(%arg19 : memref<!tpu.dma_semaphore, #tpu.memory_space<semaphore_mem>>)
    %dma_wait3A_134 = arith.constant 384 : i32
    %dma_wait3A_135 = tpu.memref_slice %arg8[%dma_wait3A_134] : memref<512xi32, #tpu.memory_space<vmem>> -> memref<128xi32, #tpu.memory_space<vmem>>
    %dma_wait3A_136 = arith.constant 0 : i32
    %dma_wait3A_137 = arith.constant 0 : i32
    %dma_wait3A_138 = tpu.memref_slice %arg5[%dma_wait3A_136, %dma_wait3A_137] : memref<100000x128xf32, #tpu.memory_space<hbm>> -> memref<100000x128xf32, #tpu.memory_space<hbm>>
    tpu.wait_indirect_dma semaphore(%arg16 : memref<!tpu.dma_semaphore, #tpu.memory_space<semaphore_mem>>) src(%dma_wait3A_138 : memref<100000x128xf32, #tpu.memory_space<hbm>>) dst(%arg12 : memref<128x128xf32, #tpu.memory_space<vmem>>)
    %add3A_139 = arith.constant 384 : i32
    %add3A_140 = arith.addi %mul3A_2, %add3A_139 : i32
    %dma_start3A_141 = arith.constant 128 : i32
    %dma_start3A_142 = tpu.memref_slice %arg6[%add3A_140, %dma_start3A_141] : memref<16384x256xf32, #tpu.memory_space<hbm>> -> memref<128x128xf32, #tpu.memory_space<hbm>>
    %dma_start3A_143 = arith.constant 128 : i32
    %dma_start3A_144 = tpu.memref_slice %arg6[%add3A_140, %dma_start3A_143] : memref<16384x256xf32, #tpu.memory_space<hbm>> -> memref<128x128xf32, #tpu.memory_space<hbm>>
    tpu.enqueue_dma source(%arg12 : memref<128x128xf32, #tpu.memory_space<vmem>>) target(%dma_start3A_144 : memref<128x128xf32, #tpu.memory_space<hbm>>) target_semaphore(%arg20 : memref<!tpu.dma_semaphore, #tpu.memory_space<semaphore_mem>>)
    %dma_wait3A_145 = arith.constant 0 : i32
    %dma_wait3A_146 = tpu.memref_slice %arg6[%add3A_89, %dma_wait3A_145] : memref<16384x256xf32, #tpu.memory_space<hbm>> -> memref<128x128xf32, #tpu.memory_space<hbm>>
    %dma_wait3A_147 = arith.constant 0 : i32
    %dma_wait3A_148 = tpu.memref_slice %arg6[%add3A_89, %dma_wait3A_147] : memref<16384x256xf32, #tpu.memory_space<hbm>> -> memref<128x128xf32, #tpu.memory_space<hbm>>
    tpu.wait_dma2 semaphore(%arg17 : memref<!tpu.dma_semaphore, #tpu.memory_space<semaphore_mem>>) src(%arg9 : memref<128x128xf32, #tpu.memory_space<vmem>>) dst(%dma_wait3A_148 : memref<128x128xf32, #tpu.memory_space<hbm>>)
    %dma_wait3A_149 = arith.constant 128 : i32
    %dma_wait3A_150 = tpu.memref_slice %arg6[%add3A_109, %dma_wait3A_149] : memref<16384x256xf32, #tpu.memory_space<hbm>> -> memref<128x128xf32, #tpu.memory_space<hbm>>
    %dma_wait3A_151 = arith.constant 128 : i32
    %dma_wait3A_152 = tpu.memref_slice %arg6[%add3A_109, %dma_wait3A_151] : memref<16384x256xf32, #tpu.memory_space<hbm>> -> memref<128x128xf32, #tpu.memory_space<hbm>>
    tpu.wait_dma2 semaphore(%arg18 : memref<!tpu.dma_semaphore, #tpu.memory_space<semaphore_mem>>) src(%arg10 : memref<128x128xf32, #tpu.memory_space<vmem>>) dst(%dma_wait3A_152 : memref<128x128xf32, #tpu.memory_space<hbm>>)
    %dma_wait3A_153 = arith.constant 0 : i32
    %dma_wait3A_154 = tpu.memref_slice %arg6[%add3A_129, %dma_wait3A_153] : memref<16384x256xf32, #tpu.memory_space<hbm>> -> memref<128x128xf32, #tpu.memory_space<hbm>>
    %dma_wait3A_155 = arith.constant 0 : i32
    %dma_wait3A_156 = tpu.memref_slice %arg6[%add3A_129, %dma_wait3A_155] : memref<16384x256xf32, #tpu.memory_space<hbm>> -> memref<128x128xf32, #tpu.memory_space<hbm>>
    tpu.wait_dma2 semaphore(%arg19 : memref<!tpu.dma_semaphore, #tpu.memory_space<semaphore_mem>>) src(%arg11 : memref<128x128xf32, #tpu.memory_space<vmem>>) dst(%dma_wait3A_156 : memref<128x128xf32, #tpu.memory_space<hbm>>)
    %dma_wait3A_157 = arith.constant 128 : i32
    %dma_wait3A_158 = tpu.memref_slice %arg6[%add3A_140, %dma_wait3A_157] : memref<16384x256xf32, #tpu.memory_space<hbm>> -> memref<128x128xf32, #tpu.memory_space<hbm>>
    %dma_wait3A_159 = arith.constant 128 : i32
    %dma_wait3A_160 = tpu.memref_slice %arg6[%add3A_140, %dma_wait3A_159] : memref<16384x256xf32, #tpu.memory_space<hbm>> -> memref<128x128xf32, #tpu.memory_space<hbm>>
    tpu.wait_dma2 semaphore(%arg20 : memref<!tpu.dma_semaphore, #tpu.memory_space<semaphore_mem>>) src(%arg12 : memref<128x128xf32, #tpu.memory_space<vmem>>) dst(%dma_wait3A_160 : memref<128x128xf32, #tpu.memory_space<hbm>>)
    return
  }
}

module attributes {stable_mosaic.version = 14 : i64} {
  func.func @_mlp_body(%arg0: i32, %arg1: memref<2048x256xf32, #tpu.memory_space<vmem>>, %arg2: memref<256x1024xbf16, #tpu.memory_space<vmem>>, %arg3: memref<1x1024xbf16, #tpu.memory_space<vmem>>, %arg4: memref<1024x512xbf16, #tpu.memory_space<vmem>>, %arg5: memref<1x512xbf16, #tpu.memory_space<vmem>>, %arg6: memref<512x256xbf16, #tpu.memory_space<vmem>>, %arg7: memref<1x256xbf16, #tpu.memory_space<vmem>>, %arg8: memref<1x256xf32, #tpu.memory_space<vmem>>, %arg9: memref<1x1xf32, #tpu.memory_space<vmem>>, %arg10: memref<2048x1xf32, #tpu.memory_space<vmem>>) attributes {dimension_semantics = [#tpu.dimension_semantics<arbitrary>], iteration_bounds = array<i64: 8>, scalar_prefetch = 0 : i64, scratch_operands = 0 : i64, tpu.core_type = #tpu.core_type<tc>, window_params = [{transform_indices = @transform_0, window_bounds = array<i64: 2048, 256>}, {pipeline_mode = #tpu.pipeline_mode<synchronous>, transform_indices = @transform_1, window_bounds = array<i64: 256, 1024>}, {pipeline_mode = #tpu.pipeline_mode<synchronous>, transform_indices = @transform_2, window_bounds = array<i64: 1, 1024>}, {pipeline_mode = #tpu.pipeline_mode<synchronous>, transform_indices = @transform_3, window_bounds = array<i64: 1024, 512>}, {pipeline_mode = #tpu.pipeline_mode<synchronous>, transform_indices = @transform_4, window_bounds = array<i64: 1, 512>}, {pipeline_mode = #tpu.pipeline_mode<synchronous>, transform_indices = @transform_5, window_bounds = array<i64: 512, 256>}, {pipeline_mode = #tpu.pipeline_mode<synchronous>, transform_indices = @transform_6, window_bounds = array<i64: 1, 256>}, {pipeline_mode = #tpu.pipeline_mode<synchronous>, transform_indices = @transform_7, window_bounds = array<i64: 1, 256>}, {pipeline_mode = #tpu.pipeline_mode<synchronous>, transform_indices = @transform_8, window_bounds = array<i64: 1, 1>}, {transform_indices = @transform_9, window_bounds = array<i64: 2048, 1>}]} {
    %get3A = arith.constant 0 : index
    %get3A_0 = arith.constant 0 : index
    %get3A_1 = vector.load %arg1[%get3A, %get3A_0] : memref<2048x256xf32, #tpu.memory_space<vmem>>, vector<2048x256xf32>
    %convert_element_type3A = arith.truncf %get3A_1 : vector<2048x256xf32> to vector<2048x256xbf16>
    %get3A_2 = arith.constant 0 : index
    %get3A_3 = arith.constant 0 : index
    %get3A_4 = vector.load %arg2[%get3A_2, %get3A_3] : memref<256x1024xbf16, #tpu.memory_space<vmem>>, vector<256x1024xbf16>
    %dot_general3A = arith.constant dense<0.000000e+00> : vector<2048x1024xf32>
    %dot_general3A_5 = tpu.matmul %convert_element_type3A, %get3A_4, %dot_general3A {dimension_numbers = #tpu.dot_dimension_numbers<[1], [0], [0], [1], [0, 0, 1, 1], [], []>, transpose_lhs_hint = false} : vector<2048x256xbf16>, vector<256x1024xbf16>, vector<2048x1024xf32> -> vector<2048x1024xf32>
    %convert_element_type3A_6 = arith.truncf %dot_general3A_5 : vector<2048x1024xf32> to vector<2048x1024xbf16>
    %get3A_7 = arith.constant 0 : index
    %get3A_8 = arith.constant 0 : index
    %get3A_9 = vector.load %arg3[%get3A_7, %get3A_8] : memref<1x1024xbf16, #tpu.memory_space<vmem>>, vector<1x1024xbf16>
    %add3A = vector.broadcast %get3A_9 : vector<1x1024xbf16> to vector<2048x1024xbf16>
    %add3A_10 = arith.addf %convert_element_type3A_6, %add3A : vector<2048x1024xbf16>
    %max3A = arith.constant 0.000000e+00 : bf16
    %max3A_11 = vector.broadcast %max3A : bf16 to vector<2048x1024xbf16>
    %max3A_12 = arith.maximumf %add3A_10, %max3A_11 : vector<2048x1024xbf16>
    %get3A_13 = arith.constant 0 : index
    %get3A_14 = arith.constant 0 : index
    %get3A_15 = vector.load %arg4[%get3A_13, %get3A_14] : memref<1024x512xbf16, #tpu.memory_space<vmem>>, vector<1024x512xbf16>
    %dot_general3A_16 = arith.constant dense<0.000000e+00> : vector<2048x512xf32>
    %dot_general3A_17 = tpu.matmul %max3A_12, %get3A_15, %dot_general3A_16 {dimension_numbers = #tpu.dot_dimension_numbers<[1], [0], [0], [1], [0, 0, 1, 1], [], []>, transpose_lhs_hint = false} : vector<2048x1024xbf16>, vector<1024x512xbf16>, vector<2048x512xf32> -> vector<2048x512xf32>
    %convert_element_type3A_18 = arith.truncf %dot_general3A_17 : vector<2048x512xf32> to vector<2048x512xbf16>
    %get3A_19 = arith.constant 0 : index
    %get3A_20 = arith.constant 0 : index
    %get3A_21 = vector.load %arg5[%get3A_19, %get3A_20] : memref<1x512xbf16, #tpu.memory_space<vmem>>, vector<1x512xbf16>
    %add3A_22 = vector.broadcast %get3A_21 : vector<1x512xbf16> to vector<2048x512xbf16>
    %add3A_23 = arith.addf %convert_element_type3A_18, %add3A_22 : vector<2048x512xbf16>
    %max3A_24 = arith.constant 0.000000e+00 : bf16
    %max3A_25 = vector.broadcast %max3A_24 : bf16 to vector<2048x512xbf16>
    %max3A_26 = arith.maximumf %add3A_23, %max3A_25 : vector<2048x512xbf16>
    %get3A_27 = arith.constant 0 : index
    %get3A_28 = arith.constant 0 : index
    %get3A_29 = vector.load %arg6[%get3A_27, %get3A_28] : memref<512x256xbf16, #tpu.memory_space<vmem>>, vector<512x256xbf16>
    %dot_general3A_30 = arith.constant dense<0.000000e+00> : vector<2048x256xf32>
    %dot_general3A_31 = tpu.matmul %max3A_26, %get3A_29, %dot_general3A_30 {dimension_numbers = #tpu.dot_dimension_numbers<[1], [0], [0], [1], [0, 0, 1, 1], [], []>, transpose_lhs_hint = false} : vector<2048x512xbf16>, vector<512x256xbf16>, vector<2048x256xf32> -> vector<2048x256xf32>
    %convert_element_type3A_32 = arith.truncf %dot_general3A_31 : vector<2048x256xf32> to vector<2048x256xbf16>
    %get3A_33 = arith.constant 0 : index
    %get3A_34 = arith.constant 0 : index
    %get3A_35 = vector.load %arg7[%get3A_33, %get3A_34] : memref<1x256xbf16, #tpu.memory_space<vmem>>, vector<1x256xbf16>
    %add3A_36 = vector.broadcast %get3A_35 : vector<1x256xbf16> to vector<2048x256xbf16>
    %add3A_37 = arith.addf %convert_element_type3A_32, %add3A_36 : vector<2048x256xbf16>
    %max3A_38 = arith.constant 0.000000e+00 : bf16
    %max3A_39 = vector.broadcast %max3A_38 : bf16 to vector<2048x256xbf16>
    %max3A_40 = arith.maximumf %add3A_37, %max3A_39 : vector<2048x256xbf16>
    %convert_element_type3A_41 = arith.extf %max3A_40 : vector<2048x256xbf16> to vector<2048x256xf32>
    %get3A_42 = arith.constant 0 : index
    %get3A_43 = arith.constant 0 : index
    %get3A_44 = vector.load %arg8[%get3A_42, %get3A_43] : memref<1x256xf32, #tpu.memory_space<vmem>>, vector<1x256xf32>
    %mul3A = vector.broadcast %get3A_44 : vector<1x256xf32> to vector<2048x256xf32>
    %mul3A_45 = arith.mulf %convert_element_type3A_41, %mul3A : vector<2048x256xf32>
    %reduce_sum3A = arith.constant dense<0.000000e+00> : vector<2048xf32>
    %reduce_sum3A_46 = vector.multi_reduction <add>, %mul3A_45, %reduce_sum3A [1] : vector<2048x256xf32> to vector<2048xf32>
    %broadcast_in_dim3A = vector.shape_cast %reduce_sum3A_46 : vector<2048xf32> to vector<2048x1xf32>
    %get3A_47 = arith.constant 0 : index
    %get3A_48 = arith.constant 0 : index
    %get3A_49 = vector.load %arg9[%get3A_47, %get3A_48] : memref<1x1xf32, #tpu.memory_space<vmem>>, vector<1x1xf32>
    %add3A_50 = vector.broadcast %get3A_49 : vector<1x1xf32> to vector<2048x1xf32>
    %add3A_51 = arith.addf %broadcast_in_dim3A, %add3A_50 : vector<2048x1xf32>
    %swap3A = arith.constant 0 : index
    %swap3A_52 = arith.constant 0 : index
    %swap3A_53 = vector.load %arg10[%swap3A, %swap3A_52] : memref<2048x1xf32, #tpu.memory_space<vmem>>, vector<2048x1xf32>
    tpu.vector_store %arg10[%swap3A, %swap3A_52], %add3A_51 {strides = array<i32>} : memref<2048x1xf32, #tpu.memory_space<vmem>>, vector<2048x1xf32>,
    return
  }
  func.func @transform_0(%arg0: i32) -> (i32, i32) {
    %c0_i32 = arith.constant 0 : i32
    %c0_i32_0 = arith.constant 0 : i32
    return %arg0, %c0_i32 : i32, i32
  }
  func.func @transform_1(%arg0: i32) -> (i32, i32) {
    %c0_i32 = arith.constant 0 : i32
    %c0_i32_0 = arith.constant 0 : i32
    %c0_i32_1 = arith.constant 0 : i32
    return %c0_i32, %c0_i32_0 : i32, i32
  }
  func.func @transform_2(%arg0: i32) -> (i32, i32) {
    %c0_i32 = arith.constant 0 : i32
    %c0_i32_0 = arith.constant 0 : i32
    %c0_i32_1 = arith.constant 0 : i32
    return %c0_i32, %c0_i32_0 : i32, i32
  }
  func.func @transform_3(%arg0: i32) -> (i32, i32) {
    %c0_i32 = arith.constant 0 : i32
    %c0_i32_0 = arith.constant 0 : i32
    %c0_i32_1 = arith.constant 0 : i32
    return %c0_i32, %c0_i32_0 : i32, i32
  }
  func.func @transform_4(%arg0: i32) -> (i32, i32) {
    %c0_i32 = arith.constant 0 : i32
    %c0_i32_0 = arith.constant 0 : i32
    %c0_i32_1 = arith.constant 0 : i32
    return %c0_i32, %c0_i32_0 : i32, i32
  }
  func.func @transform_5(%arg0: i32) -> (i32, i32) {
    %c0_i32 = arith.constant 0 : i32
    %c0_i32_0 = arith.constant 0 : i32
    %c0_i32_1 = arith.constant 0 : i32
    return %c0_i32, %c0_i32_0 : i32, i32
  }
  func.func @transform_6(%arg0: i32) -> (i32, i32) {
    %c0_i32 = arith.constant 0 : i32
    %c0_i32_0 = arith.constant 0 : i32
    %c0_i32_1 = arith.constant 0 : i32
    return %c0_i32, %c0_i32_0 : i32, i32
  }
  func.func @transform_7(%arg0: i32) -> (i32, i32) {
    %c0_i32 = arith.constant 0 : i32
    %c0_i32_0 = arith.constant 0 : i32
    %c0_i32_1 = arith.constant 0 : i32
    return %c0_i32, %c0_i32_0 : i32, i32
  }
  func.func @transform_8(%arg0: i32) -> (i32, i32) {
    %c0_i32 = arith.constant 0 : i32
    %c0_i32_0 = arith.constant 0 : i32
    %c0_i32_1 = arith.constant 0 : i32
    return %c0_i32, %c0_i32_0 : i32, i32
  }
  func.func @transform_9(%arg0: i32) -> (i32, i32) {
    %c0_i32 = arith.constant 0 : i32
    %c0_i32_0 = arith.constant 0 : i32
    return %arg0, %c0_i32 : i32, i32
  }
}

</mosaic_0001>

<sc_bundles>
// kernel: kernel.4.cloned.1.call-start
scs
__scs_entry_jumppad:
0x0: {  	(pc) =	sbr.rel $0x88, $3  }
0x1: {  	(tag) =	ssettag $0x0;
	lr =	simm.s32 $0x1  }
0x2: {  	[smem:$0x3F95] =	sst lr;
	_ =	strace $0xD0000000  }
0x3: {  	_ = 	snop  }
0x4: {  	_ = 	snop  }
0x5: {  	_ = 	snop  }
0x6: {  	_ = 	snop  }
0x7: {  	_ = 	snop  }
__scs_overlays_trampoline_lowered:
0x8: {  	[smem:$0x3FA4] =	sst s0  }
0x9: {  	[smem:$0x3FA5] =	sst s1  }
0xa: {  	[smem:$0x3FA6] =	sst s2  }
0xb: {  	[smem:$0x3FA7] =	sst s3  }
0xc: {  	[smem:$0x3FA8] =	sst s4  }
0xd: {  	[smem:$0x3FA9] =	sst s5  }
0xe: {  	[smem:$0x3FAA] =	sst s6  }
0xf: {  	[smem:$0x3FAB] =	sst s7  }
0x10: {  	[smem:$0x3FAC] =	sst s8  }
0x11: {  	[smem:$0x3FAD] =	sst s9;
	s0 =	simm.s32 @!p0 $0x0  }
0x12: {  	s1 =	sld [smem:$0x3F93];
	s0 =	simm.s32 @p0 $0x1  }
0x13: {  	[smem:$0x3FAE] =	sst s0;
	s0 =	simm.s32 @!p1 $0x0  }
0x14: {  	s2 =	sld [smem:$0x3F92];
	s0 =	simm.s32 @p1 $0x1  }
0x15: {  	[smem:$0x3FAF] =	sst s0;
	s0 =	simm.s32 @!p2 $0x0  }
0x16: {  	s3 =	sld [smem:$0x3FDB];
	s0 =	simm.s32 @p2 $0x1  }
0x17: {  	s4 =	simm.s32 $0x1BF5;
	[smem:$0x3FB1] =	sst s0  }
0x18: {  	s0 =	sld [smem:$0x3F94];
	_ =	swait.ge [sflag:s4], $0x0  }
0x19: {  	s7 =	sld [smem:$0x3F95]  }
0x1a: {  	s8 =	sadd.s32 $0xFFFFE003, lr  }
0x1b: {  	s9 =	sadd.s32 $0xFFFFFEF7, lr;
	s5 =	simm.s32 $0xFFFFFFFF;
	p2 =	slt.u32 s8, $0xFFFFF086  }
0x1c: {  	p1 =	slt.u32 s9, $0xF7A;
	s5 =	simm.s32 @!p2 $0x0  }
0x1d: {  	s5 =	simm.s32 @p1 $0x1;
	p0 =	seq.s32 s7, s2  }
0x1e: {  	s7 =	smul.u32 @!p0 $0xF7A, s2;
	p2 =	seq.s32 @!p0 s5, $0x0  }
0x1f: {  	s9 =	smul.u32 $0xF7A, s1;
	s8 =	simm.s32 @!p0 $0x1BF5;
	p2 =	por !p2, p0  }
0x20: {  	[sflag:s8] =	ssyncset.s32 @!p0 $0xFFFFF086;
	s6 =	sadd.s32 @!p0 s3, s7;
	s7 =	simm.s32 @!p0 $0x108  }
0x21: {  	s3 =	sadd.s32 s3, s9;
	s6 =	sadd.s32 @!p0 $0x88, s6;
	s7 =	simm.s32 @p2 $0x1082  }
0x22: {  	[simem:s7], [sflag:s8] =	dma.local @!p0 [hbm:s6], $0xF7A  }
0x23: {  	s9 =	sor.u32 $0xD0000000, s2;
	s6 =	simm.s32 $0x108;
	_ =	swait.ge @!p0 [sflag:s8], $0x0  }
0x24: {  	s3 =	sadd.s32 $0x88, s3;
	s6 =	simm.s32 @!p1 $0x1082;
	[sflag:s4] =	ssyncset.s32 $0xFFFFF086  }
0x25: {  	[simem:s6], [sflag:s4] =	dma.local [hbm:s3], $0xF7A  }
0x26: {  	[smem:$0x3F95] =	sst s1;
	(tag) =	ssettag s2;
	_ =	strace s9  }
0x27: {  	s1 =	sld [smem:$0x3FA5]  }
0x28: {  	s2 =	sld [smem:$0x3FA6]  }
0x29: {  	s4 =	sld [smem:$0x3FA8]  }
0x2a: {  	p0 =	seq.s32 s5, $0x0;
	s5 =	sld [smem:$0x3FA9]  }
0x2b: {  	s6 =	sld [smem:$0x3FAA]  }
0x2c: {  	s7 =	sld [smem:$0x3FAB]  }
0x2d: {  	s3 =	simm.s32 $0x108;
	s8 =	sld [smem:$0x3FAC]  }
0x2e: {  	s3 =	simm.s32 @!p0 $0x1082;
	s9 =	sld [smem:$0x3FAD]  }
0x2f: {  	lr =	sadd.s32 s0, s3;
	s0 =	sld [smem:$0x3FA4]  }
0x30: {  	s3 =	sld [smem:$0x3FA7]  }
0x31: {  	[smem:$0x3FB0] =	sst s10  }
0x32: {  	s10 =	sld [smem:$0x3FAE];
	_ =	sdelay $0x3  }
0x33: {  	p0 =	seq.s32 s10, $0x1;
	s10 =	sld [smem:$0x3FB0];
	_ =	sdelay $0x3  }
0x34: {  	[smem:$0x3FB0] =	sst s10  }
0x35: {  	s10 =	sld [smem:$0x3FAF];
	_ =	sdelay $0x3  }
0x36: {  	p1 =	seq.s32 s10, $0x1;
	s10 =	sld [smem:$0x3FB0];
	_ =	sdelay $0x3  }
0x37: {  	[smem:$0x3FB0] =	sst s10  }
0x38: {  	s10 =	sld [smem:$0x3FB1]  }
0x39: {  	_ = 	snop;
	(pc) =	sbr.ind lr, $3  }
0x3a: {  	_ = 	snop  }
0x3b: {  	_ = 	snop  }
0x3c: {  	p2 =	seq.s32 s10, $0x1;
	s10 =	sld [smem:$0x3FB0]  }
0x3d: {  	_ =	shalt  }
0x3e: {  	_ =	shalt  }
0x3f: {  	_ =	shalt  }
0x40: {  	_ =	shalt  }
0x41: {  	_ =	shalt  }
0x42: {  	_ =	shalt  }
0x43: {  	_ =	shalt  }
0x44: {  	_ =	shalt  }
0x45: {  	_ =	shalt  }
0x46: {  	_ =	shalt  }
0x47: {  	_ =	shalt  }
0x48: {  	_ =	shalt  }
0x49: {  	_ =	shalt  }
0x4a: {  	_ =	shalt  }
0x4b: {  	_ =	shalt  }
0x4c: {  	_ =	shalt  }
0x4d: {  	_ =	shalt  }
0x4e: {  	_ =	shalt  }
0x4f: {  	_ =	shalt  }
0x50: {  	_ =	shalt  }
0x51: {  	_ =	shalt  }
0x52: {  	_ =	shalt  }
0x53: {  	_ =	shalt  }
0x54: {  	_ =	shalt  }
0x55: {  	_ =	shalt  }
0x56: {  	_ =	shalt  }
0x57: {  	_ =	shalt  }
0x58: {  	_ =	shalt  }
0x59: {  	_ =	shalt  }
0x5a: {  	_ =	shalt  }
0x5b: {  	_ =	shalt  }
0x5c: {  	_ =	shalt  }
0x5d: {  	_ =	shalt  }
0x5e: {  	_ =	shalt  }
0x5f: {  	_ =	shalt  }
0x60: {  	_ =	shalt  }
0x61: {  	_ =	shalt  }
0x62: {  	_ =	shalt  }
0x63: {  	_ =	shalt  }
0x64: {  	_ =	shalt  }
0x65: {  	_ =	shalt  }
0x66: {  	_ =	shalt  }
0x67: {  	_ =	shalt  }
0x68: {  	_ =	shalt  }
0x69: {  	_ =	shalt  }
0x6a: {  	_ =	shalt  }
0x6b: {  	_ =	shalt  }
0x6c: {  	_ =	shalt  }
0x6d: {  	_ =	shalt  }
0x6e: {  	_ =	shalt  }
0x6f: {  	_ =	shalt  }
0x70: {  	_ =	shalt  }
0x71: {  	_ =	shalt  }
0x72: {  	_ =	shalt  }
0x73: {  	_ =	shalt  }
0x74: {  	_ =	shalt  }
0x75: {  	_ =	shalt  }
0x76: {  	_ =	shalt  }
0x77: {  	_ =	shalt  }
0x78: {  	_ =	shalt  }
0x79: {  	_ =	shalt  }
0x7a: {  	_ =	shalt  }
0x7b: {  	_ =	shalt  }
0x7c: {  	_ =	shalt  }
0x7d: {  	_ =	shalt  }
0x7e: {  	_ =	shalt  }
0x7f: {  	_ =	shalt  }
0x80: {  	_ =	shalt  }
0x81: {  	_ =	shalt  }
0x82: {  	_ =	shalt  }
0x83: {  	_ =	shalt  }
0x84: {  	_ =	shalt  }
0x85: {  	_ =	shalt  }
0x86: {  	_ =	shalt  }
0x87: {  	_ =	shalt  }
.Lfunc_end0:
.L_simem_size_0:
called_computation_lowered:
.L_overlay_start_0:
0x88: {  	s2 =	sld [smem:$0x3FD9]  }
0x89: {  	s3 =	sld [smem:$0x3FFE];
	_ =	sdelay $0x1  }
0x8a: {  	s1 =	srdreg.scid  }
0x8b: {  	s0 =	sand.u32 $0x1, s1  }
0x8c: {  	s17 =	sshll.u32 s0, $0xA;
	s2 =	sadd.s32 s3, s2  }
0x8d: {  	s2 =	sadd.s32 s2, s17  }
0x8e: {  	[smem:$0x3FBC] =	sst s2  }
0x8f: {  	_ = 	snop  }
0x90: {  	s2 =	sld [smem:$0x3FC9]  }
0x91: {  	s18 =	sld [smem:$0x3FC8]  }
0x92: {  	s4 =	sld [smem:$0x3FC7]  }
0x93: {  	s5 =	sld [smem:$0x3FC6];
	(tm) =	ssettm $0x1  }
0x94: {  	s6 =	sld [smem:$0x3FFB];
	_ =	sdelay $0x3  }
0x95: {  	_ =	strace s6  }
0x96: {  	s6 =	sld [smem:$0x3FFC];
	_ =	sdelay $0x3  }
0x97: {  	_ =	strace s6  }
0x98: {  	s6 =	sld [smem:$0x3FFD];
	_ =	sdelay $0x3  }
0x99: {  	_ =	strace s6  }
0x9a: {  	_ =	strace $0x8FFFFFFF  }
0x9b: {  	s19 =	sld [smem:$0x3FDB];
	_ =	sdelay $0x1  }
0x9c: {  	s7 =	simm.s32 $_scs_section_size  }
0x9d: {  	s8 =	simm.s32 $_size__tile_overlayer_lowered;
	s9 =	simm.s32 $_tile_overlayer_lowered  }
0x9e: {  	s22 =	simm.s32 $0x1BFF;
	s21 =	sshll.u32 s9, $0x1;
	s6 =	sadd.s32 s7, s19  }
0x9f: {  	s10 =	simm.s32 $0x0;
	s20 =	sshll.u32 s8, $0x1;
	s8 =	sadd.s32 s21, s6  }
0xa0: {  	[timem:s10], [sflag:s22] =	dma.local [hbm:s8], s20  }
0xa1: {  	_ =	swait.ge [sflag:s22], s20  }
0xa2: {  	s7 =	ssub.s32 $0x0, s20;
	[sflag:s22] =	ssyncset.done $0x0  }
0xa3: {  	[sflag:s22] =	ssyncadd.s32 s7;
	_ =	sdelay $0x1  }
0xa4: {  	s23 =	simm.s32 $0x1B8B  }
0xa5: {  	_ =	swait.ge [sflag:s23], $0x1  }
0xa6: {  	[sflag:s23] =	ssyncset.done $0x0  }
0xa7: {  	s25 =	simm.s32 $0x1B8E;
	s24 =	sld [smem:$0x3FFE];
	[sflag:s23] =	ssyncadd.s32 $0xFFFFFFFF  }
0xa8: {  	s26 =	simm.s32 $execute0_lowered;
	[smem:$0x3FD2] =	sst s25  }
0xa9: {  	s8 =	sshll.u32 s26, $0x1;
	_ =	strace $0x80000046;
	[dreg:$0x1] =	wrdreg $0xFFFFFFFF  }
0xaa: {  	s28 =	simm.s32 $_size_execute0_lowered;
	s6 =	sadd.s32 s6, s8;
	[dreg:$0x0] =	wrdreg $0x0  }
0xab: {  	s8 =	sshll.u32 s28, $0x1;
	[dreg:$0x2] =	wrdreg s6  }
0xac: {  	[dreg:$0x3] =	wrdreg s8  }
0xad: {  	[dreg:$0x4] =	wrdreg $0xC0  }
0xae: {  	_ =	task [dreg:s10], $0x5FFFF  }
0xaf: {  	[dreg:$0x1] =	wrdreg $0xFFFFFFFF  }
0xb0: {  	[dreg:$0x0] =	wrdreg $0x60  }
0xb1: {  	[dreg:$0x2] =	wrdreg s2  }
0xb2: {  	[dreg:$0x3] =	wrdreg s18  }
0xb3: {  	[dreg:$0x4] =	wrdreg s4  }
0xb4: {  	[dreg:$0x5] =	wrdreg s5  }
0xb5: {  	[dreg:$0x6] =	wrdreg s24  }
0xb6: {  	[dreg:$0x7] =	wrdreg $0x9  }
0xb7: {  	_ =	task.clear_ibuf [dreg:s10], $0x8FFFF;
	_ =	strace $0x90000046  }
0xb8: {  	s29 =	simm.s32 $0x9;
	_ =	strace $0x80000048  }
0xb9: {  	_ =	swait.ge [sflag:s29], $0x1  }
0xba: {  	[sflag:s29] =	ssyncadd.s32 $0xFFFFFFFF  }
0xbb: {  	_ =	strace $0x90000048  }
0xbc: {  	_ =	sfence  }
0xbd: {  	s30 =	sld [smem:$0x0];
	_ =	sdelay $0x2  }
0xbe: {  	s31 =	sshll.u32 s1, $0xD;
	s1 =	sshrl.u32 s1, $0x2  }
0xbf: {  	s3 =	sand.u32 $0x4000, s31;
	s1 =	sadd.s32 s1, s30  }
0xc0: {  	s0 =	sor.u32 s3, s0;
	s1 =	sshll.u32 s1, $0x11  }
0xc1: {  	s0 =	sor.u32 s1, s0  }
0xc2: {  	s0 =	sadd.s32 $0x8F2B, s0  }
0xc3: {  	[sflag:s0] =	ssyncadd.remote.s32 $0x1  }
0xc4: {  	_ =	sfence.sel $0xFFFF  }
0xc5: {  	[dreg:$0x0] =	wrdreg $0xFFFFFFFF;
	(pc) =	sbr.abs _section_cstart, $3  }
0xc6: {  	[dreg:$0x1] =	wrdreg $0xFFFFFFFF  }
0xc7: {  	_ =	task.clear_ibuf [dreg:s10], $0x2FFFF;
	_ =	strace $0x9FFFFFFF  }
0xc8: {  	(tm) =	ssettm $0x7FFFFFFF  }
0xc9: {  	_ =	shalt  }
tec
execute0_lowered:
.L_overlay_start_1:
0x0: {  	(tag) =	ssettag $0x1  }
0x1: {  	s5 =	rddreg [dreg:$0x0]  }
0x2: {  	s6 =	rddreg [dreg:$0x1];
	s1 =	srdreg.scid  }
0x3: {  	s2 =	rddreg [dreg:$0x2];
	s0 =	stileid.u32;
	s1 =	sand.u32 $0x1, s1  }
0x4: {  	s3 =	rddreg [dreg:$0x3];
	s8 =	sshll.u32 s0, $0xA;
	s9 =	sshll.u32 s1, $0x9  }
0x5: {  	s7 =	rddreg [dreg:$0x4];
	s4 =	simm.s32 $0x0;
	s8 =	sor.u32 s9, s8  }
0x6: {  	[smem:$0x7FF] =	sst s4;
	s9 =	sshrl.u32 s8, $0x3  }
0x7: {  	_ =	strace $0x80000047;
	s8 =	sshll.u32 s8, $0x5;
	s5 =	sadd.s32 s5, s9  }
0x8: {  	s31 =	sadd.s32 s8, s7;
	s21 =	sadd.s32 s6, s9;
	[dreg:$0x6] =	wrdreg s5  }
0x9: {  	[dreg:$0x7] =	wrdreg s21;
	s22 =	sadd.s32 $0x1200, s31  }
0xa: {  	[dreg:$0x8] =	wrdreg s22  }
0xb: {  	s23 =	sadd.s32 $0x1280, s31;
	s24 =	rddreg [dreg:$0x6]  }
0xc: {  	s25 =	sadd.s32 $0x2200, s31;
	[dreg:$0x9] =	wrdreg s23  }
0xd: {  	s5 =	simm.s32 $0x9;
	[dreg:$0xa] =	wrdreg s25  }
0xe: {  	[tilespmem:s4], [sflag:$0x9] =	stream.linear.gather [hbm4b:s24+s4], $0x200, $0x38;
	[tilespmem:$0x10400] =	vst v63  }
0xf: {  	_ =	swait.ge [sflag:s5], $0x200  }
0x10: {  	[sflag:s5] =	ssyncset.done $0x0  }
0x11: {  	s6 =	simm.s32 $0x200;
	s26 =	rddreg [dreg:$0x7];
	[sflag:s5] =	ssyncadd.s32 $0xFFFFFE00  }
0x12: {  	[tilespmem:s6], [sflag:$0x9] =	stream.linear.gather [hbm4b:s26+s4], $0x200, $0x38;
	[tilespmem:$0x10400] =	vst v63  }
0x13: {  	_ =	swait.ge [sflag:s5], $0x200  }
0x14: {  	[sflag:s5] =	ssyncset.done $0x0  }
0x15: {  	s7 =	simm.s32 $0x80;
	s8 =	simm.s32 $0x400;
	[sflag:s5] =	ssyncadd.s32 $0xFFFFFE00  }
0x16: {  	[tilespmem:s8], [sflag:$0x1] =	stream.indirect.gather [hbm4b:s2+s7], $0x80, s4, s7, $0xb8;
	[tilespmem:$0x10400] =	vst v63  }
0x17: {  	s10 =	simm.s32 $0x1;
	s9 =	simm.s32 $0x4400  }
0x18: {  	[tilespmem:s9], [sflag:$0x2] =	stream.indirect.gather [hbm4b:s3+s7], $0x80, s6, s7, $0xb8;
	[tilespmem:$0x10400] =	vst v63  }
0x19: {  	_ =	swait.ge [sflag:s10], $0x4000  }
0x1a: {  	[sflag:s10] =	ssyncset.done $0x0  }
0x1b: {  	s11 =	simm.s32 $0x800;
	s12 =	rddreg [dreg:$0x8];
	[sflag:s10] =	ssyncadd.s32 $0xFFFFC000  }
0x1c: {  	[hbm4b:s12+s8] =	stream.strided.scatter [tilespmem:s8], [sflag:$0x5], $0x4000, s11, s8, $0x38;
	[tilespmem:$0x10400] =	vst v63  }
0x1d: {  	s13 =	simm.s32 $0x2;
	s12 =	simm.s32 $0x8400  }
0x1e: {  	[tilespmem:s12], [sflag:$0x3] =	stream.indirect.gather [hbm4b:s2+s7], $0x80, s7, s7, $0xb8;
	[tilespmem:$0x10400] =	vst v63  }
0x1f: {  	_ =	swait.ge [sflag:s13], $0x4000  }
0x20: {  	[sflag:s13] =	ssyncset.done $0x0  }
0x21: {  	s14 =	rddreg [dreg:$0x9];
	[sflag:s13] =	ssyncadd.s32 $0xFFFFC000  }
0x22: {  	[hbm4b:s14+s8] =	stream.strided.scatter [tilespmem:s9], [sflag:$0x6], $0x4000, s11, s8, $0x38;
	[tilespmem:$0x10400] =	vst v63  }
0x23: {  	s15 =	simm.s32 $0xC400;
	s16 =	simm.s32 $0x3;
	s14 =	simm.s32 $0x280  }
0x24: {  	[tilespmem:s15], [sflag:$0x4] =	stream.indirect.gather [hbm4b:s3+s7], $0x80, s14, s7, $0xb8;
	[tilespmem:$0x10400] =	vst v63  }
0x25: {  	_ =	swait.ge [sflag:s16], $0x4000  }
0x26: {  	[sflag:s16] =	ssyncset.done $0x0  }
0x27: {  	s17 =	simm.s32 $0x5;
	s18 =	rddreg [dreg:$0xa];
	[sflag:s16] =	ssyncadd.s32 $0xFFFFC000  }
0x28: {  	[hbm4b:s18+s8] =	stream.strided.scatter [tilespmem:s12], [sflag:$0x7], $0x4000, s11, s8, $0x38;
	[tilespmem:$0x10400] =	vst v63  }
0x29: {  	_ =	swait.ge [sflag:s17], $0x4000  }
0x2a: {  	[sflag:s17] =	ssyncset.done $0x0  }
0x2b: {  	s19 =	simm.s32 $0x4;
	s18 =	simm.s32 $0x100;
	[sflag:s17] =	ssyncadd.s32 $0xFFFFC000  }
0x2c: {  	[tilespmem:s8], [sflag:$0x1] =	stream.indirect.gather [hbm4b:s2+s7], $0x80, s18, s7, $0xb8;
	[tilespmem:$0x10400] =	vst v63  }
0x2d: {  	_ =	swait.ge [sflag:s19], $0x4000  }
0x2e: {  	[sflag:s19] =	ssyncset.done $0x0  }
0x2f: {  	s20 =	sadd.s32 $0x2280, s31;
	s21 =	simm.s32 $0x6;
	[sflag:s19] =	ssyncadd.s32 $0xFFFFC000  }
0x30: {  	[hbm4b:s20+s8] =	stream.strided.scatter [tilespmem:s15], [sflag:$0x8], $0x4000, s11, s8, $0x38;
	[tilespmem:$0x10400] =	vst v63  }
0x31: {  	_ =	swait.ge [sflag:s21], $0x4000  }
0x32: {  	[sflag:s21] =	ssyncset.done $0x0  }
0x33: {  	s22 =	simm.s32 $0x300;
	[sflag:s21] =	ssyncadd.s32 $0xFFFFC000  }
0x34: {  	[tilespmem:s9], [sflag:$0x2] =	stream.indirect.gather [hbm4b:s3+s7], $0x80, s22, s7, $0xb8;
	[tilespmem:$0x10400] =	vst v63  }
0x35: {  	_ =	swait.ge [sflag:s10], $0x4000  }
0x36: {  	[sflag:s10] =	ssyncset.done $0x0  }
0x37: {  	s23 =	sadd.s32 $0x3200, s31;
	s24 =	simm.s32 $0x7;
	[sflag:s10] =	ssyncadd.s32 $0xFFFFC000  }
0x38: {  	[hbm4b:s23+s8] =	stream.strided.scatter [tilespmem:s8], [sflag:$0x5], $0x4000, s11, s8, $0x38;
	[tilespmem:$0x10400] =	vst v63  }
0x39: {  	_ =	swait.ge [sflag:s24], $0x4000  }
0x3a: {  	[sflag:s24] =	ssyncset.done $0x0  }
0x3b: {  	s25 =	simm.s32 $0x180;
	[sflag:s24] =	ssyncadd.s32 $0xFFFFC000  }
0x3c: {  	[tilespmem:s12], [sflag:$0x3] =	stream.indirect.gather [hbm4b:s2+s7], $0x80, s25, s7, $0xb8;
	[tilespmem:$0x10400] =	vst v63  }
0x3d: {  	_ =	swait.ge [sflag:s13], $0x4000  }
0x3e: {  	[sflag:s13] =	ssyncset.done $0x0  }
0x3f: {  	s28 =	sadd.s32 $0x3280, s31;
	s26 =	simm.s32 $0x8;
	[sflag:s13] =	ssyncadd.s32 $0xFFFFC000  }
0x40: {  	[hbm4b:s28+s8] =	stream.strided.scatter [tilespmem:s9], [sflag:$0x6], $0x4000, s11, s8, $0x38;
	[tilespmem:$0x10400] =	vst v63  }
0x41: {  	_ =	swait.ge [sflag:s26], $0x4000  }
0x42: {  	[sflag:s26] =	ssyncset.done $0x0  }
0x43: {  	s29 =	simm.s32 $0x380;
	[sflag:s26] =	ssyncadd.s32 $0xFFFFC000  }
0x44: {  	[tilespmem:s15], [sflag:$0x4] =	stream.indirect.gather [hbm4b:s3+s7], $0x80, s29, s7, $0xb8;
	[tilespmem:$0x10400] =	vst v63  }
0x45: {  	_ =	swait.ge [sflag:s16], $0x4000  }
0x46: {  	[sflag:s16] =	ssyncset.done $0x0  }
0x47: {  	s30 =	sadd.s32 $0x4200, s31;
	[sflag:s16] =	ssyncadd.s32 $0xFFFFC000  }
0x48: {  	[hbm4b:s30+s8] =	stream.strided.scatter [tilespmem:s12], [sflag:$0x7], $0x4000, s11, s8, $0x38;
	[tilespmem:$0x10400] =	vst v63  }
0x49: {  	_ =	swait.ge [sflag:s19], $0x4000  }
0x4a: {  	[sflag:s19] =	ssyncset.done $0x0  }
0x4b: {  	s31 =	sadd.s32 $0x4280, s31;
	[sflag:s19] =	ssyncadd.s32 $0xFFFFC000  }
0x4c: {  	[hbm4b:s31+s8] =	stream.strided.scatter [tilespmem:s15], [sflag:$0x8], $0x4000, s11, s8, $0x38;
	[tilespmem:$0x10400] =	vst v63  }
0x4d: {  	s1 =	ssub.s32 $0x2, s1;
	_ =	swait.ge [sflag:s17], $0x4000  }
0x4e: {  	s0 =	sshrl.u32 s1, $0x1;
	[sflag:s17] =	ssyncset.done $0x0  }
0x4f: {  	s0 =	ssub.s32 s1, s0;
	[sflag:s17] =	ssyncadd.s32 $0xFFFFC000  }
0x50: {  	s0 =	smax.u32 s0, $0x1;
	_ =	swait.ge [sflag:s21], $0x4000  }
0x51: {  	p0 =	sne.s32 s0, $0x1;
	[sflag:s21] =	ssyncset.done $0x0  }
.Ltmp0:
0x52: {  	[sflag:s21] =	ssyncadd.s32 $0xFFFFC000;
	(pc) =	sbr.rel @!p0 .LBB2_2-.Ltmp0, $4  }
0x53: {  	_ =	swait.ge [sflag:s24], $0x4000  }
0x54: {  	[sflag:s24] =	ssyncset.done $0x0  }
0x55: {  	[sflag:s24] =	ssyncadd.s32 $0xFFFFC000  }
0x56: {  	s1 =	sadd.s32 $0xFFFFFFFF, s0;
	_ =	swait.ge [sflag:s26], $0x4000  }
.LBB2_1:
0x57: {  	[sflag:s26] =	ssyncset.done $0x0  }
0x58: {  	s0 =	rddreg [dreg:$0x6];
	[sflag:s26] =	ssyncadd.s32 $0xFFFFC000  }
0x59: {  	[tilespmem:s4], [sflag:$0x9] =	stream.linear.gather [hbm4b:s0+s4], $0x200, $0x38;
	[tilespmem:$0x10400] =	vst v63  }
0x5a: {  	_ =	swait.ge [sflag:s5], $0x200  }
0x5b: {  	[sflag:s5] =	ssyncset.done $0x0  }
0x5c: {  	s0 =	rddreg [dreg:$0x7];
	[sflag:s5] =	ssyncadd.s32 $0xFFFFFE00  }
0x5d: {  	[tilespmem:s6], [sflag:$0x9] =	stream.linear.gather [hbm4b:s0+s4], $0x200, $0x38;
	[tilespmem:$0x10400] =	vst v63  }
0x5e: {  	_ =	swait.ge [sflag:s5], $0x200  }
0x5f: {  	[sflag:s5] =	ssyncset.done $0x0  }
0x60: {  	[sflag:s5] =	ssyncadd.s32 $0xFFFFFE00  }
0x61: {  	[tilespmem:s8], [sflag:$0x1] =	stream.indirect.gather [hbm4b:s2+s7], $0x80, s4, s7, $0xb8;
	[tilespmem:$0x10400] =	vst v63  }
0x62: {  	_ = 	snop  }
0x63: {  	[tilespmem:s9], [sflag:$0x2] =	stream.indirect.gather [hbm4b:s3+s7], $0x80, s6, s7, $0xb8;
	[tilespmem:$0x10400] =	vst v63  }
0x64: {  	_ =	swait.ge [sflag:s10], $0x4000  }
0x65: {  	[sflag:s10] =	ssyncset.done $0x0  }
0x66: {  	s0 =	rddreg [dreg:$0x8];
	[sflag:s10] =	ssyncadd.s32 $0xFFFFC000  }
0x67: {  	[hbm4b:s0+s8] =	stream.strided.scatter [tilespmem:s8], [sflag:$0x5], $0x4000, s11, s8, $0x38;
	[tilespmem:$0x10400] =	vst v63  }
0x68: {  	_ = 	snop  }
0x69: {  	[tilespmem:s12], [sflag:$0x3] =	stream.indirect.gather [hbm4b:s2+s7], $0x80, s7, s7, $0xb8;
	[tilespmem:$0x10400] =	vst v63  }
0x6a: {  	_ =	swait.ge [sflag:s13], $0x4000  }
0x6b: {  	[sflag:s13] =	ssyncset.done $0x0  }
0x6c: {  	s0 =	rddreg [dreg:$0x9];
	[sflag:s13] =	ssyncadd.s32 $0xFFFFC000  }
0x6d: {  	[hbm4b:s0+s8] =	stream.strided.scatter [tilespmem:s9], [sflag:$0x6], $0x4000, s11, s8, $0x38;
	[tilespmem:$0x10400] =	vst v63  }
0x6e: {  	_ = 	snop  }
0x6f: {  	[tilespmem:s15], [sflag:$0x4] =	stream.indirect.gather [hbm4b:s3+s7], $0x80, s14, s7, $0xb8;
	[tilespmem:$0x10400] =	vst v63  }
0x70: {  	_ =	swait.ge [sflag:s16], $0x4000  }
0x71: {  	[sflag:s16] =	ssyncset.done $0x0  }
0x72: {  	s0 =	rddreg [dreg:$0xa];
	[sflag:s16] =	ssyncadd.s32 $0xFFFFC000  }
0x73: {  	[hbm4b:s0+s8] =	stream.strided.scatter [tilespmem:s12], [sflag:$0x7], $0x4000, s11, s8, $0x38;
	[tilespmem:$0x10400] =	vst v63  }
0x74: {  	_ =	swait.ge [sflag:s17], $0x4000  }
0x75: {  	[sflag:s17] =	ssyncset.done $0x0  }
0x76: {  	[sflag:s17] =	ssyncadd.s32 $0xFFFFC000  }
0x77: {  	[tilespmem:s8], [sflag:$0x1] =	stream.indirect.gather [hbm4b:s2+s7], $0x80, s18, s7, $0xb8;
	[tilespmem:$0x10400] =	vst v63  }
0x78: {  	_ =	swait.ge [sflag:s19], $0x4000  }
0x79: {  	[sflag:s19] =	ssyncset.done $0x0  }
0x7a: {  	[sflag:s19] =	ssyncadd.s32 $0xFFFFC000  }
0x7b: {  	[hbm4b:s20+s8] =	stream.strided.scatter [tilespmem:s15], [sflag:$0x8], $0x4000, s11, s8, $0x38;
	[tilespmem:$0x10400] =	vst v63  }
0x7c: {  	_ =	swait.ge [sflag:s21], $0x4000  }
0x7d: {  	[sflag:s21] =	ssyncset.done $0x0  }
0x7e: {  	[sflag:s21] =	ssyncadd.s32 $0xFFFFC000  }
0x7f: {  	[tilespmem:s9], [sflag:$0x2] =	stream.indirect.gather [hbm4b:s3+s7], $0x80, s22, s7, $0xb8;
	[tilespmem:$0x10400] =	vst v63  }
0x80: {  	_ =	swait.ge [sflag:s10], $0x4000  }
0x81: {  	[sflag:s10] =	ssyncset.done $0x0  }
0x82: {  	[sflag:s10] =	ssyncadd.s32 $0xFFFFC000  }
0x83: {  	[hbm4b:s23+s8] =	stream.strided.scatter [tilespmem:s8], [sflag:$0x5], $0x4000, s11, s8, $0x38;
	[tilespmem:$0x10400] =	vst v63  }
0x84: {  	_ =	swait.ge [sflag:s24], $0x4000  }
0x85: {  	[sflag:s24] =	ssyncset.done $0x0  }
0x86: {  	[sflag:s24] =	ssyncadd.s32 $0xFFFFC000  }
0x87: {  	[tilespmem:s12], [sflag:$0x3] =	stream.indirect.gather [hbm4b:s2+s7], $0x80, s25, s7, $0xb8;
	[tilespmem:$0x10400] =	vst v63  }
0x88: {  	_ =	swait.ge [sflag:s13], $0x4000  }
0x89: {  	[sflag:s13] =	ssyncset.done $0x0  }
0x8a: {  	[sflag:s13] =	ssyncadd.s32 $0xFFFFC000  }
0x8b: {  	[hbm4b:s28+s8] =	stream.strided.scatter [tilespmem:s9], [sflag:$0x6], $0x4000, s11, s8, $0x38;
	[tilespmem:$0x10400] =	vst v63  }
0x8c: {  	_ =	swait.ge [sflag:s26], $0x4000  }
0x8d: {  	[sflag:s26] =	ssyncset.done $0x0  }
0x8e: {  	[sflag:s26] =	ssyncadd.s32 $0xFFFFC000  }
0x8f: {  	[tilespmem:s15], [sflag:$0x4] =	stream.indirect.gather [hbm4b:s3+s7], $0x80, s29, s7, $0xb8;
	[tilespmem:$0x10400] =	vst v63  }
0x90: {  	_ =	swait.ge [sflag:s16], $0x4000  }
0x91: {  	[sflag:s16] =	ssyncset.done $0x0  }
0x92: {  	[sflag:s16] =	ssyncadd.s32 $0xFFFFC000  }
0x93: {  	[hbm4b:s30+s8] =	stream.strided.scatter [tilespmem:s12], [sflag:$0x7], $0x4000, s11, s8, $0x38;
	[tilespmem:$0x10400] =	vst v63  }
0x94: {  	_ =	swait.ge [sflag:s19], $0x4000  }
0x95: {  	[sflag:s19] =	ssyncset.done $0x0  }
0x96: {  	[sflag:s19] =	ssyncadd.s32 $0xFFFFC000  }
0x97: {  	[hbm4b:s31+s8] =	stream.strided.scatter [tilespmem:s15], [sflag:$0x8], $0x4000, s11, s8, $0x38;
	[tilespmem:$0x10400] =	vst v63  }
0x98: {  	_ =	swait.ge [sflag:s17], $0x4000  }
0x99: {  	[sflag:s17] =	ssyncset.done $0x0  }
0x9a: {  	[sflag:s17] =	ssyncadd.s32 $0xFFFFC000  }
0x9b: {  	_ =	swait.ge [sflag:s21], $0x4000  }
0x9c: {  	p0 =	sne.s32 s1, $0x1;
	[sflag:s21] =	ssyncset.done $0x0  }
.Ltmp1:
0x9d: {  	[sflag:s21] =	ssyncadd.s32 $0xFFFFC000;
	(pc) =	sbr.rel @p0 .LBB2_1-.Ltmp1, $4  }
0x9e: {  	_ =	swait.ge [sflag:s24], $0x4000  }
0x9f: {  	[sflag:s24] =	ssyncset.done $0x0  }
0xa0: {  	[sflag:s24] =	ssyncadd.s32 $0xFFFFC000  }
0xa1: {  	s1 =	sadd.s32 $0xFFFFFFFF, s1;
	_ =	swait.ge [sflag:s26], $0x4000  }
.LBB2_2:
0xa2: {  	[sflag:s26] =	ssyncset.done $0x0  }
0xa3: {  	[sflag:s26] =	ssyncadd.s32 $0xFFFFC000  }
0xa4: {  	_ =	sfence.sel $0x180000  }
0xa5: {  	[bflag:$0x0] =	sbarrier.arrive $0xFFFF  }
0xa6: {  	_ =	strace $0x90000047  }
0xa7: {  	s0 =	stileid.u32;
	[bflag:$0x2] =	sbarrier.arrive $0xFFFF  }
0xa8: {  	p0 =	sne.s32 s0, $0x0;
	s0 =	rddreg [dreg:$0x5]  }
0xa9: {  	s0 =	sadd.s32 @!p0 $0x100000, s0  }
0xaa: {  	[sflag:s0] =	ssyncadd.tile.s32 @!p0 $0x1;
	_ =	shalt  }
.Lfunc_end2:
_tile_overlayer_lowered:
.L_overlay_start_2:
0xab: {  	(tag) =	ssettag $0x2  }
0xac: {  	s0 =	rddreg [dreg:$0x0];
	s2 =	stileid.u32  }
0xad: {  	s1 =	rddreg [dreg:$0x1];
	p0 =	sne.s32 s2, $0x0  }
0xae: {  	s3 =	rddreg [dreg:$0x2];
	[bflag:$0x3] =	sbarrier.arrive $0xFFFF;
	s2 =	simm.s32 @!p0 $0x1C09  }
0xaf: {  	[timem:s3], [sflag:s2] =	dma.local @!p0 [hbm:s0], s1  }
0xb0: {  	s0 =	simm.s32 @!p0 $0x9  }
0xb1: {  	_ =	swait.ge @!p0 [sflag:s0], s1  }
0xb2: {  	s1 =	ssub.s32 @!p0 $0x0, s1;
	[sflag:s0] =	ssyncset.done @!p0 $0x0  }
0xb3: {  	[sflag:s0] =	ssyncadd.s32 @!p0 s1  }
0xb4: {  	[bflag:$0x3] =	sbarrier.arrive $0xFFFF  }
0xb5: {  	_ =	shalt  }

</sc_bundles>
